<compile_context>
chip_gen: v7x
topology: tpu7x:2x2x1
jax: 0.10.2.dev20260603
libtpu: 0.0.44.dev20260713+nightly
codegen_flags: <defaults>
</compile_context>

<pallas_src>
import functools

import jax
import jax.numpy as jnp
from jax import lax
from jax.experimental import pallas as pl
from jax.experimental.pallas import tpu as pltpu
from jax.experimental.pallas import tpu_sc as plsc

_TPD = 24.0



def _ctx_add_body(ctx_ref, pe_ref, out_ref):
    out_ref[...] = ctx_ref[...] + pe_ref[...]


def _ctx_add(context_tokens, positional_encoding, bn):
    n, b, d = context_tokens.shape
    return pl.pallas_call(
        _ctx_add_body,
        grid=(n // bn,),
        in_specs=[
            pl.BlockSpec((bn, b, d), lambda i: (i, 0, 0)),
            pl.BlockSpec((bn, 1, d), lambda i: (i, 0, 0)),
        ],
        out_specs=pl.BlockSpec((bn, b, d), lambda i: (i, 0, 0)),
        out_shape=jax.ShapeDtypeStruct((n, b, d), jnp.float32),
        compiler_params=pltpu.CompilerParams(
            vmem_limit_bytes=128 * 1024 * 1024),
    )(context_tokens, positional_encoding)



def _make_tgt_kernel(B, D):
    L = 16
    n_workers = B // L
    mesh = plsc.VectorSubcoreMesh(
        core_axis_name="c", subcore_axis_name="s", num_cores=1)

    @functools.partial(
        pl.kernel,
        mesh=mesh,
        out_type=jax.ShapeDtypeStruct((B, D), jnp.float32),
        scratch_types=[
            pltpu.VMEM((4, L), jnp.float32),
            pltpu.VMEM((L,), jnp.int32),
            pltpu.VMEM((L, D), jnp.float32),
            pltpu.VMEM((L, D), jnp.float32),
            pltpu.SemaphoreType.DMA,
            pltpu.SemaphoreType.DMA,
        ],
    )
    def tgt_kernel(bbox_hbm, tgt_hbm, pe_hbm, out_hbm,
                   bbox_v, idx_v, rows_v, tgt_v, sem_g, sem_t):
        wid = lax.axis_index("s")

        @pl.when(wid < n_workers)
        def _():
            base = wid * L
            tcp = pltpu.async_copy(tgt_hbm.at[pl.ds(base, L)], tgt_v, sem_t)
            bcp = [
                pltpu.async_copy(
                    bbox_hbm.at[j, pl.ds(base, L)], bbox_v.at[j], sem_g)
                for j in range(4)
            ]
            for c in bcp:
                c.wait()
            x = bbox_v[0, :]
            y = bbox_v[1, :]
            w = bbox_v[2, :]
            h = bbox_v[3, :]
            cx = (x + w / 2.0) * _TPD
            cy = (y + h / 2.0) * _TPD
            tx = cx.astype(jnp.int32)
            ty = cy.astype(jnp.int32)
            ix = jnp.where(cx > tx.astype(jnp.float32), tx, tx - 1)
            iy = jnp.where(cy > ty.astype(jnp.float32), ty, ty - 1)
            idx_v[...] = ix + iy * 24

            pltpu.async_copy(pe_hbm.at[idx_v], rows_v, sem_g).wait()
            tcp.wait()

            n_chunks = L * D // L
            UNROLL = 1

            def add_body(i, _):
                for u in range(UNROLL):
                    k = i * UNROLL + u
                    r = k // (D // L)
                    off = (k % (D // L)) * L
                    rows_v[r, pl.ds(off, L)] = (
                        rows_v[r, pl.ds(off, L)] + tgt_v[r, pl.ds(off, L)]
                    )
                return 0
            lax.fori_loop(0, n_chunks // UNROLL, add_body, 0)

            pltpu.sync_copy(rows_v, out_hbm.at[pl.ds(base, L)])

    return tgt_kernel


def kernel(context_tokens, target_tokens, target_bbox, positional_encoding):
    n, b, d = context_tokens.shape
    pe2d = positional_encoding.reshape(n, d)
    tgt2d = target_tokens.reshape(b, d)
    tgt_out = _make_tgt_kernel(b, d)(target_bbox.T, tgt2d, pe2d)
    ctx_out = _ctx_add(context_tokens, positional_encoding, bn=18)
    return ctx_out, tgt_out.reshape(1, b, d)

# --- scband reference (transcript-rebuilt; emitter-appended) ---
"""Pipeline reference for scband-positional-encoding-6236292514534 (READ-ONLY COPY).

The authoritative reference and input builder live on the scoring server;
editing this copy changes nothing except your own understanding.
"""

import jax, jax.numpy as jnp
import numpy as np

TOKENS_PER_DIM = 24  # int(sqrt(576))


def bbox2token(bbox):
    # bbox: [B, 4] with rows [xmin, ymin, w, h] in relative coords
    tpd = TOKENS_PER_DIM
    ids = (jnp.ceil((bbox[:, 0] + bbox[:, 2] / 2.0) * tpd) - 1.0
           + (jnp.ceil((bbox[:, 1] + bbox[:, 3] / 2.0) * tpd) - 1.0) * tpd)
    return ids.astype(jnp.int32)


def setup_inputs(seed: int = 0) -> dict:
    key = jax.random.key(seed)
    k1, k2, k3, k4 = jax.random.split(key, 4)
    N, B, D = 576, 256, 768
    context_tokens = jax.random.normal(k1, (N, B, D), dtype=jnp.float32)
    target_tokens = jax.random.normal(k2, (1, B, D), dtype=jnp.float32)
    # keep coords in (0, 0.5) so x + w/2 stays in (0, 1) and token ids are in-range
    target_bbox = jax.random.uniform(k3, (B, 4), dtype=jnp.float32, minval=0.01, maxval=0.49)
    # learned positional encoding parameter (torch xavier_uniform approx)
    fan_sum = N * 1 + D
    bound = float(np.sqrt(6.0 / fan_sum))
    positional_encoding = jax.random.uniform(k4, (N, 1, D), dtype=jnp.float32, minval=-bound, maxval=bound)
    return {
        "context_tokens": context_tokens,
        "target_tokens": target_tokens,
        "target_bbox": target_bbox,
        "positional_encoding": positional_encoding,
    }


def reference(context_tokens, target_tokens, target_bbox, positional_encoding):
    # context_tokens: [N, B, D]; positional_encoding: [N, 1, D] broadcasts over batch
    ctx_out = context_tokens + positional_encoding
    token_ids = bbox2token(target_bbox)  # [B]
    gathered = jnp.take(positional_encoding, token_ids, axis=0)  # [B, 1, D]
    tgt_out = target_tokens + jnp.transpose(gathered, (1, 0, 2))  # [1, B, D]
    return (ctx_out, tgt_out)

if __name__ == "__main__":
    import jax
    _d = setup_inputs()
    print(jax.jit(kernel)(*tuple(_d.values())))

</pallas_src>

<mosaic_0001>
#map = affine_map<(d0, d1) -> (0, 0)>
module attributes {stable_mosaic.version = 14 : i64} {
  func.func @tgt_kernel(%arg0: i32, %arg1: i32, %arg2: memref<4x256xf32, #tpu.memory_space<hbm>>, %arg3: memref<256x768xf32, #tpu.memory_space<hbm>>, %arg4: memref<576x768xf32, #tpu.memory_space<hbm>>, %arg5: memref<256x768xf32, #tpu.memory_space<hbm>>, %arg6: memref<4x16xf32, #tpu.memory_space<vmem>>, %arg7: memref<16xi32, #tpu.memory_space<vmem>>, %arg8: memref<16x768xf32, #tpu.memory_space<vmem>>, %arg9: memref<16x768xf32, #tpu.memory_space<vmem>>, %arg10: memref<!tpu.dma_semaphore, #tpu.memory_space<semaphore_mem>>, %arg11: memref<!tpu.dma_semaphore, #tpu.memory_space<semaphore_mem>>) attributes {dimension_semantics = [#tpu.dimension_semantics<core_parallel>, #tpu.dimension_semantics<subcore_parallel>], iteration_bounds = array<i64: 1, 16>, scalar_prefetch = 0 : i64, scratch_operands = 6 : i64, tpu.core_type = #tpu.core_type<sc_vector_subcore>, window_params = [{transform_indices = #map}, {transform_indices = #map}, {transform_indices = #map}, {transform_indices = #map}]} {
    %lt3A = arith.constant 16 : i32
    %lt3A_0 = arith.cmpi slt, %arg1, %lt3A : i32
    %convert_element_type3A = arith.extui %lt3A_0 : i1 to i32
    %cond3A = arith.constant 0 : i32
    %cond3A_1 = arith.cmpi ne, %convert_element_type3A, %cond3A : i32
    scf.if %cond3A_1 {
      %mul3A = arith.constant 16 : i32
      %mul3A_2 = arith.muli %arg1, %mul3A : i32
      %dma_start3A = arith.constant 0 : i32
      %dma_start3A_3 = tpu.memref_slice %arg3[%mul3A_2, %dma_start3A] : memref<256x768xf32, #tpu.memory_space<hbm>> -> memref<16x768xf32, #tpu.memory_space<hbm>>
      %dma_start3A_4 = arith.constant 0 : i32
      %dma_start3A_5 = tpu.memref_slice %arg3[%mul3A_2, %dma_start3A_4] : memref<256x768xf32, #tpu.memory_space<hbm>> -> memref<16x768xf32, #tpu.memory_space<hbm>>
      tpu.enqueue_dma source(%dma_start3A_5 : memref<16x768xf32, #tpu.memory_space<hbm>>) target(%arg9 : memref<16x768xf32, #tpu.memory_space<vmem>>) target_semaphore(%arg11 : memref<!tpu.dma_semaphore, #tpu.memory_space<semaphore_mem>>)
      %dma_start3A_6 = arith.constant 0 : i32
      %dma_start3A_7 = arith.constant 0 : i32
      %dma_start3A_8 = arith.constant 0 : i32
      %dma_start3A_9 = tpu.memref_slice %arg6[%dma_start3A_7, %dma_start3A_8] : memref<4x16xf32, #tpu.memory_space<vmem>> -> memref<1x16xf32, #tpu.memory_space<vmem>>
      %dma_start3A_10 = tpu.memref_squeeze %dma_start3A_9 : memref<1x16xf32, #tpu.memory_space<vmem>> -> memref<16xf32, #tpu.memory_space<vmem>>
      %dma_start3A_11 = tpu.memref_slice %arg2[%dma_start3A_6, %mul3A_2] : memref<4x256xf32, #tpu.memory_space<hbm>> -> memref<1x16xf32, #tpu.memory_space<hbm>>
      %dma_start3A_12 = tpu.memref_squeeze %dma_start3A_11 : memref<1x16xf32, #tpu.memory_space<hbm>> -> memref<16xf32, #tpu.memory_space<hbm>>
      %dma_start3A_13 = arith.constant 0 : i32
      %dma_start3A_14 = tpu.memref_slice %arg6[%dma_start3A_7, %dma_start3A_13] : memref<4x16xf32, #tpu.memory_space<vmem>> -> memref<1x16xf32, #tpu.memory_space<vmem>>
      %dma_start3A_15 = tpu.memref_squeeze %dma_start3A_14 : memref<1x16xf32, #tpu.memory_space<vmem>> -> memref<16xf32, #tpu.memory_space<vmem>>
      %dma_start3A_16 = tpu.memref_slice %arg2[%dma_start3A_6, %mul3A_2] : memref<4x256xf32, #tpu.memory_space<hbm>> -> memref<1x16xf32, #tpu.memory_space<hbm>>
      %dma_start3A_17 = tpu.memref_squeeze %dma_start3A_16 : memref<1x16xf32, #tpu.memory_space<hbm>> -> memref<16xf32, #tpu.memory_space<hbm>>
      tpu.enqueue_dma source(%dma_start3A_17 : memref<16xf32, #tpu.memory_space<hbm>>) target(%dma_start3A_15 : memref<16xf32, #tpu.memory_space<vmem>>) target_semaphore(%arg10 : memref<!tpu.dma_semaphore, #tpu.memory_space<semaphore_mem>>)
      %dma_start3A_18 = arith.constant 1 : i32
      %dma_start3A_19 = arith.constant 1 : i32
      %dma_start3A_20 = arith.constant 0 : i32
      %dma_start3A_21 = tpu.memref_slice %arg6[%dma_start3A_19, %dma_start3A_20] : memref<4x16xf32, #tpu.memory_space<vmem>> -> memref<1x16xf32, #tpu.memory_space<vmem>>
      %dma_start3A_22 = tpu.memref_squeeze %dma_start3A_21 : memref<1x16xf32, #tpu.memory_space<vmem>> -> memref<16xf32, #tpu.memory_space<vmem>>
      %dma_start3A_23 = tpu.memref_slice %arg2[%dma_start3A_18, %mul3A_2] : memref<4x256xf32, #tpu.memory_space<hbm>> -> memref<1x16xf32, #tpu.memory_space<hbm>>
      %dma_start3A_24 = tpu.memref_squeeze %dma_start3A_23 : memref<1x16xf32, #tpu.memory_space<hbm>> -> memref<16xf32, #tpu.memory_space<hbm>>
      %dma_start3A_25 = arith.constant 0 : i32
      %dma_start3A_26 = tpu.memref_slice %arg6[%dma_start3A_19, %dma_start3A_25] : memref<4x16xf32, #tpu.memory_space<vmem>> -> memref<1x16xf32, #tpu.memory_space<vmem>>
      %dma_start3A_27 = tpu.memref_squeeze %dma_start3A_26 : memref<1x16xf32, #tpu.memory_space<vmem>> -> memref<16xf32, #tpu.memory_space<vmem>>
      %dma_start3A_28 = tpu.memref_slice %arg2[%dma_start3A_18, %mul3A_2] : memref<4x256xf32, #tpu.memory_space<hbm>> -> memref<1x16xf32, #tpu.memory_space<hbm>>
      %dma_start3A_29 = tpu.memref_squeeze %dma_start3A_28 : memref<1x16xf32, #tpu.memory_space<hbm>> -> memref<16xf32, #tpu.memory_space<hbm>>
      tpu.enqueue_dma source(%dma_start3A_29 : memref<16xf32, #tpu.memory_space<hbm>>) target(%dma_start3A_27 : memref<16xf32, #tpu.memory_space<vmem>>) target_semaphore(%arg10 : memref<!tpu.dma_semaphore, #tpu.memory_space<semaphore_mem>>)
      %dma_start3A_30 = arith.constant 2 : i32
      %dma_start3A_31 = arith.constant 2 : i32
      %dma_start3A_32 = arith.constant 0 : i32
      %dma_start3A_33 = tpu.memref_slice %arg6[%dma_start3A_31, %dma_start3A_32] : memref<4x16xf32, #tpu.memory_space<vmem>> -> memref<1x16xf32, #tpu.memory_space<vmem>>
      %dma_start3A_34 = tpu.memref_squeeze %dma_start3A_33 : memref<1x16xf32, #tpu.memory_space<vmem>> -> memref<16xf32, #tpu.memory_space<vmem>>
      %dma_start3A_35 = tpu.memref_slice %arg2[%dma_start3A_30, %mul3A_2] : memref<4x256xf32, #tpu.memory_space<hbm>> -> memref<1x16xf32, #tpu.memory_space<hbm>>
      %dma_start3A_36 = tpu.memref_squeeze %dma_start3A_35 : memref<1x16xf32, #tpu.memory_space<hbm>> -> memref<16xf32, #tpu.memory_space<hbm>>
      %dma_start3A_37 = arith.constant 0 : i32
      %dma_start3A_38 = tpu.memref_slice %arg6[%dma_start3A_31, %dma_start3A_37] : memref<4x16xf32, #tpu.memory_space<vmem>> -> memref<1x16xf32, #tpu.memory_space<vmem>>
      %dma_start3A_39 = tpu.memref_squeeze %dma_start3A_38 : memref<1x16xf32, #tpu.memory_space<vmem>> -> memref<16xf32, #tpu.memory_space<vmem>>
      %dma_start3A_40 = tpu.memref_slice %arg2[%dma_start3A_30, %mul3A_2] : memref<4x256xf32, #tpu.memory_space<hbm>> -> memref<1x16xf32, #tpu.memory_space<hbm>>
      %dma_start3A_41 = tpu.memref_squeeze %dma_start3A_40 : memref<1x16xf32, #tpu.memory_space<hbm>> -> memref<16xf32, #tpu.memory_space<hbm>>
      tpu.enqueue_dma source(%dma_start3A_41 : memref<16xf32, #tpu.memory_space<hbm>>) target(%dma_start3A_39 : memref<16xf32, #tpu.memory_space<vmem>>) target_semaphore(%arg10 : memref<!tpu.dma_semaphore, #tpu.memory_space<semaphore_mem>>)
      %dma_start3A_42 = arith.constant 3 : i32
      %dma_start3A_43 = arith.constant 3 : i32
      %dma_start3A_44 = arith.constant 0 : i32
      %dma_start3A_45 = tpu.memref_slice %arg6[%dma_start3A_43, %dma_start3A_44] : memref<4x16xf32, #tpu.memory_space<vmem>> -> memref<1x16xf32, #tpu.memory_space<vmem>>
      %dma_start3A_46 = tpu.memref_squeeze %dma_start3A_45 : memref<1x16xf32, #tpu.memory_space<vmem>> -> memref<16xf32, #tpu.memory_space<vmem>>
      %dma_start3A_47 = tpu.memref_slice %arg2[%dma_start3A_42, %mul3A_2] : memref<4x256xf32, #tpu.memory_space<hbm>> -> memref<1x16xf32, #tpu.memory_space<hbm>>
      %dma_start3A_48 = tpu.memref_squeeze %dma_start3A_47 : memref<1x16xf32, #tpu.memory_space<hbm>> -> memref<16xf32, #tpu.memory_space<hbm>>
      %dma_start3A_49 = arith.constant 0 : i32
      %dma_start3A_50 = tpu.memref_slice %arg6[%dma_start3A_43, %dma_start3A_49] : memref<4x16xf32, #tpu.memory_space<vmem>> -> memref<1x16xf32, #tpu.memory_space<vmem>>
      %dma_start3A_51 = tpu.memref_squeeze %dma_start3A_50 : memref<1x16xf32, #tpu.memory_space<vmem>> -> memref<16xf32, #tpu.memory_space<vmem>>
      %dma_start3A_52 = tpu.memref_slice %arg2[%dma_start3A_42, %mul3A_2] : memref<4x256xf32, #tpu.memory_space<hbm>> -> memref<1x16xf32, #tpu.memory_space<hbm>>
      %dma_start3A_53 = tpu.memref_squeeze %dma_start3A_52 : memref<1x16xf32, #tpu.memory_space<hbm>> -> memref<16xf32, #tpu.memory_space<hbm>>
      tpu.enqueue_dma source(%dma_start3A_53 : memref<16xf32, #tpu.memory_space<hbm>>) target(%dma_start3A_51 : memref<16xf32, #tpu.memory_space<vmem>>) target_semaphore(%arg10 : memref<!tpu.dma_semaphore, #tpu.memory_space<semaphore_mem>>)
      %dma_wait3A = arith.constant 0 : i32
      %dma_wait3A_54 = arith.constant 0 : i32
      %dma_wait3A_55 = arith.constant 0 : i32
      %dma_wait3A_56 = tpu.memref_slice %arg6[%dma_wait3A_54, %dma_wait3A_55] : memref<4x16xf32, #tpu.memory_space<vmem>> -> memref<1x16xf32, #tpu.memory_space<vmem>>
      %dma_wait3A_57 = tpu.memref_squeeze %dma_wait3A_56 : memref<1x16xf32, #tpu.memory_space<vmem>> -> memref<16xf32, #tpu.memory_space<vmem>>
      %dma_wait3A_58 = tpu.memref_slice %arg2[%dma_wait3A, %mul3A_2] : memref<4x256xf32, #tpu.memory_space<hbm>> -> memref<1x16xf32, #tpu.memory_space<hbm>>
      %dma_wait3A_59 = tpu.memref_squeeze %dma_wait3A_58 : memref<1x16xf32, #tpu.memory_space<hbm>> -> memref<16xf32, #tpu.memory_space<hbm>>
      %dma_wait3A_60 = arith.constant 0 : i32
      %dma_wait3A_61 = tpu.memref_slice %arg6[%dma_wait3A_54, %dma_wait3A_60] : memref<4x16xf32, #tpu.memory_space<vmem>> -> memref<1x16xf32, #tpu.memory_space<vmem>>
      %dma_wait3A_62 = tpu.memref_squeeze %dma_wait3A_61 : memref<1x16xf32, #tpu.memory_space<vmem>> -> memref<16xf32, #tpu.memory_space<vmem>>
      %dma_wait3A_63 = tpu.memref_slice %arg2[%dma_wait3A, %mul3A_2] : memref<4x256xf32, #tpu.memory_space<hbm>> -> memref<1x16xf32, #tpu.memory_space<hbm>>
      %dma_wait3A_64 = tpu.memref_squeeze %dma_wait3A_63 : memref<1x16xf32, #tpu.memory_space<hbm>> -> memref<16xf32, #tpu.memory_space<hbm>>
      tpu.wait_dma2 semaphore(%arg10 : memref<!tpu.dma_semaphore, #tpu.memory_space<semaphore_mem>>) src(%dma_wait3A_64 : memref<16xf32, #tpu.memory_space<hbm>>) dst(%dma_wait3A_62 : memref<16xf32, #tpu.memory_space<vmem>>)
      %dma_wait3A_65 = arith.constant 1 : i32
      %dma_wait3A_66 = arith.constant 1 : i32
      %dma_wait3A_67 = arith.constant 0 : i32
      %dma_wait3A_68 = tpu.memref_slice %arg6[%dma_wait3A_66, %dma_wait3A_67] : memref<4x16xf32, #tpu.memory_space<vmem>> -> memref<1x16xf32, #tpu.memory_space<vmem>>
      %dma_wait3A_69 = tpu.memref_squeeze %dma_wait3A_68 : memref<1x16xf32, #tpu.memory_space<vmem>> -> memref<16xf32, #tpu.memory_space<vmem>>
      %dma_wait3A_70 = tpu.memref_slice %arg2[%dma_wait3A_65, %mul3A_2] : memref<4x256xf32, #tpu.memory_space<hbm>> -> memref<1x16xf32, #tpu.memory_space<hbm>>
      %dma_wait3A_71 = tpu.memref_squeeze %dma_wait3A_70 : memref<1x16xf32, #tpu.memory_space<hbm>> -> memref<16xf32, #tpu.memory_space<hbm>>
      %dma_wait3A_72 = arith.constant 0 : i32
      %dma_wait3A_73 = tpu.memref_slice %arg6[%dma_wait3A_66, %dma_wait3A_72] : memref<4x16xf32, #tpu.memory_space<vmem>> -> memref<1x16xf32, #tpu.memory_space<vmem>>
      %dma_wait3A_74 = tpu.memref_squeeze %dma_wait3A_73 : memref<1x16xf32, #tpu.memory_space<vmem>> -> memref<16xf32, #tpu.memory_space<vmem>>
      %dma_wait3A_75 = tpu.memref_slice %arg2[%dma_wait3A_65, %mul3A_2] : memref<4x256xf32, #tpu.memory_space<hbm>> -> memref<1x16xf32, #tpu.memory_space<hbm>>
      %dma_wait3A_76 = tpu.memref_squeeze %dma_wait3A_75 : memref<1x16xf32, #tpu.memory_space<hbm>> -> memref<16xf32, #tpu.memory_space<hbm>>
      tpu.wait_dma2 semaphore(%arg10 : memref<!tpu.dma_semaphore, #tpu.memory_space<semaphore_mem>>) src(%dma_wait3A_76 : memref<16xf32, #tpu.memory_space<hbm>>) dst(%dma_wait3A_74 : memref<16xf32, #tpu.memory_space<vmem>>)
      %dma_wait3A_77 = arith.constant 2 : i32
      %dma_wait3A_78 = arith.constant 2 : i32
      %dma_wait3A_79 = arith.constant 0 : i32
      %dma_wait3A_80 = tpu.memref_slice %arg6[%dma_wait3A_78, %dma_wait3A_79] : memref<4x16xf32, #tpu.memory_space<vmem>> -> memref<1x16xf32, #tpu.memory_space<vmem>>
      %dma_wait3A_81 = tpu.memref_squeeze %dma_wait3A_80 : memref<1x16xf32, #tpu.memory_space<vmem>> -> memref<16xf32, #tpu.memory_space<vmem>>
      %dma_wait3A_82 = tpu.memref_slice %arg2[%dma_wait3A_77, %mul3A_2] : memref<4x256xf32, #tpu.memory_space<hbm>> -> memref<1x16xf32, #tpu.memory_space<hbm>>
      %dma_wait3A_83 = tpu.memref_squeeze %dma_wait3A_82 : memref<1x16xf32, #tpu.memory_space<hbm>> -> memref<16xf32, #tpu.memory_space<hbm>>
      %dma_wait3A_84 = arith.constant 0 : i32
      %dma_wait3A_85 = tpu.memref_slice %arg6[%dma_wait3A_78, %dma_wait3A_84] : memref<4x16xf32, #tpu.memory_space<vmem>> -> memref<1x16xf32, #tpu.memory_space<vmem>>
      %dma_wait3A_86 = tpu.memref_squeeze %dma_wait3A_85 : memref<1x16xf32, #tpu.memory_space<vmem>> -> memref<16xf32, #tpu.memory_space<vmem>>
      %dma_wait3A_87 = tpu.memref_slice %arg2[%dma_wait3A_77, %mul3A_2] : memref<4x256xf32, #tpu.memory_space<hbm>> -> memref<1x16xf32, #tpu.memory_space<hbm>>
      %dma_wait3A_88 = tpu.memref_squeeze %dma_wait3A_87 : memref<1x16xf32, #tpu.memory_space<hbm>> -> memref<16xf32, #tpu.memory_space<hbm>>
      tpu.wait_dma2 semaphore(%arg10 : memref<!tpu.dma_semaphore, #tpu.memory_space<semaphore_mem>>) src(%dma_wait3A_88 : memref<16xf32, #tpu.memory_space<hbm>>) dst(%dma_wait3A_86 : memref<16xf32, #tpu.memory_space<vmem>>)
      %dma_wait3A_89 = arith.constant 3 : i32
      %dma_wait3A_90 = arith.constant 3 : i32
      %dma_wait3A_91 = arith.constant 0 : i32
      %dma_wait3A_92 = tpu.memref_slice %arg6[%dma_wait3A_90, %dma_wait3A_91] : memref<4x16xf32, #tpu.memory_space<vmem>> -> memref<1x16xf32, #tpu.memory_space<vmem>>
      %dma_wait3A_93 = tpu.memref_squeeze %dma_wait3A_92 : memref<1x16xf32, #tpu.memory_space<vmem>> -> memref<16xf32, #tpu.memory_space<vmem>>
      %dma_wait3A_94 = tpu.memref_slice %arg2[%dma_wait3A_89, %mul3A_2] : memref<4x256xf32, #tpu.memory_space<hbm>> -> memref<1x16xf32, #tpu.memory_space<hbm>>
      %dma_wait3A_95 = tpu.memref_squeeze %dma_wait3A_94 : memref<1x16xf32, #tpu.memory_space<hbm>> -> memref<16xf32, #tpu.memory_space<hbm>>
      %dma_wait3A_96 = arith.constant 0 : i32
      %dma_wait3A_97 = tpu.memref_slice %arg6[%dma_wait3A_90, %dma_wait3A_96] : memref<4x16xf32, #tpu.memory_space<vmem>> -> memref<1x16xf32, #tpu.memory_space<vmem>>
      %dma_wait3A_98 = tpu.memref_squeeze %dma_wait3A_97 : memref<1x16xf32, #tpu.memory_space<vmem>> -> memref<16xf32, #tpu.memory_space<vmem>>
      %dma_wait3A_99 = tpu.memref_slice %arg2[%dma_wait3A_89, %mul3A_2] : memref<4x256xf32, #tpu.memory_space<hbm>> -> memref<1x16xf32, #tpu.memory_space<hbm>>
      %dma_wait3A_100 = tpu.memref_squeeze %dma_wait3A_99 : memref<1x16xf32, #tpu.memory_space<hbm>> -> memref<16xf32, #tpu.memory_space<hbm>>
      tpu.wait_dma2 semaphore(%arg10 : memref<!tpu.dma_semaphore, #tpu.memory_space<semaphore_mem>>) src(%dma_wait3A_100 : memref<16xf32, #tpu.memory_space<hbm>>) dst(%dma_wait3A_98 : memref<16xf32, #tpu.memory_space<vmem>>)
      %get3A = arith.constant 0 : i32
      %get3A_101 = arith.index_cast %get3A : i32 to index
      %get3A_102 = arith.constant 0 : index
      %get3A_103 = tpu.vector_load %arg6[%get3A_101, %get3A_102] {strides = array<i32>} : memref<4x16xf32, #tpu.memory_space<vmem>>, vector<1x16xf32>,
      %get3A_104 = vector.shape_cast %get3A_103 : vector<1x16xf32> to vector<16xf32>
      %get3A_105 = arith.constant 1 : i32
      %get3A_106 = arith.index_cast %get3A_105 : i32 to index
      %get3A_107 = arith.constant 0 : index
      %get3A_108 = tpu.vector_load %arg6[%get3A_106, %get3A_107] {strides = array<i32>} : memref<4x16xf32, #tpu.memory_space<vmem>>, vector<1x16xf32>,
      %get3A_109 = vector.shape_cast %get3A_108 : vector<1x16xf32> to vector<16xf32>
      %get3A_110 = arith.constant 2 : i32
      %get3A_111 = arith.index_cast %get3A_110 : i32 to index
      %get3A_112 = arith.constant 0 : index
      %get3A_113 = tpu.vector_load %arg6[%get3A_111, %get3A_112] {strides = array<i32>} : memref<4x16xf32, #tpu.memory_space<vmem>>, vector<1x16xf32>,
      %get3A_114 = vector.shape_cast %get3A_113 : vector<1x16xf32> to vector<16xf32>
      %get3A_115 = arith.constant 3 : i32
      %get3A_116 = arith.index_cast %get3A_115 : i32 to index
      %get3A_117 = arith.constant 0 : index
      %get3A_118 = tpu.vector_load %arg6[%get3A_116, %get3A_117] {strides = array<i32>} : memref<4x16xf32, #tpu.memory_space<vmem>>, vector<1x16xf32>,
      %get3A_119 = vector.shape_cast %get3A_118 : vector<1x16xf32> to vector<16xf32>
      %div3A = arith.constant 2.000000e+00 : f32
      %div3A_120 = vector.broadcast %div3A : f32 to vector<16xf32>
      %div3A_121 = arith.divf %get3A_114, %div3A_120 : vector<16xf32>
      %add3A = arith.addf %get3A_104, %div3A_121 : vector<16xf32>
      %mul3A_122 = arith.constant 2.400000e+01 : f32
      %mul3A_123 = vector.broadcast %mul3A_122 : f32 to vector<16xf32>
      %mul3A_124 = arith.mulf %add3A, %mul3A_123 : vector<16xf32>
      %div3A_125 = arith.constant 2.000000e+00 : f32
      %div3A_126 = vector.broadcast %div3A_125 : f32 to vector<16xf32>
      %div3A_127 = arith.divf %get3A_119, %div3A_126 : vector<16xf32>
      %add3A_128 = arith.addf %get3A_109, %div3A_127 : vector<16xf32>
      %mul3A_129 = arith.constant 2.400000e+01 : f32
      %mul3A_130 = vector.broadcast %mul3A_129 : f32 to vector<16xf32>
      %mul3A_131 = arith.mulf %add3A_128, %mul3A_130 : vector<16xf32>
      %convert_element_type3A_132 = arith.fptosi %mul3A_124 : vector<16xf32> to vector<16xi32>
      %convert_element_type3A_133 = arith.fptosi %mul3A_131 : vector<16xf32> to vector<16xi32>
      %convert_element_type3A_134 = arith.sitofp %convert_element_type3A_132 : vector<16xi32> to vector<16xf32>
      %gt3A = arith.cmpf ogt, %mul3A_124, %convert_element_type3A_134 : vector<16xf32>
      %sub3A = arith.constant 1 : i32
      %sub3A_135 = vector.broadcast %sub3A : i32 to vector<16xi32>
      %sub3A_136 = arith.subi %convert_element_type3A_132, %sub3A_135 : vector<16xi32>
      %select_n3A = arith.select %gt3A, %convert_element_type3A_132, %sub3A_136 : vector<16xi1>, vector<16xi32>
      %convert_element_type3A_137 = arith.sitofp %convert_element_type3A_133 : vector<16xi32> to vector<16xf32>
      %gt3A_138 = arith.cmpf ogt, %mul3A_131, %convert_element_type3A_137 : vector<16xf32>
      %sub3A_139 = arith.constant 1 : i32
      %sub3A_140 = vector.broadcast %sub3A_139 : i32 to vector<16xi32>
      %sub3A_141 = arith.subi %convert_element_type3A_133, %sub3A_140 : vector<16xi32>
      %select_n3A_142 = arith.select %gt3A_138, %convert_element_type3A_133, %sub3A_141 : vector<16xi1>, vector<16xi32>
      %mul3A_143 = arith.constant 24 : i32
      %mul3A_144 = vector.broadcast %mul3A_143 : i32 to vector<16xi32>
      %mul3A_145 = arith.muli %select_n3A_142, %mul3A_144 : vector<16xi32>
      %add3A_146 = arith.addi %select_n3A, %mul3A_145 : vector<16xi32>
      %swap3A = arith.constant 0 : index
      %swap3A_147 = tpu.vector_load %arg7[%swap3A] {strides = array<i32>} : memref<16xi32, #tpu.memory_space<vmem>>, vector<16xi32>,
      %swap3A_148 = vector.shape_cast %swap3A_147 : vector<16xi32> to vector<16xi32>
      %swap3A_149 = vector.shape_cast %add3A_146 : vector<16xi32> to vector<16xi32>
      tpu.vector_store %arg7[%swap3A], %swap3A_149 {strides = array<i32>} : memref<16xi32, #tpu.memory_space<vmem>>, vector<16xi32>,
      %dma_start3A_150 = arith.constant 0 : i32
      %dma_start3A_151 = arith.constant 0 : i32
      %dma_start3A_152 = tpu.memref_slice %arg4[%dma_start3A_150, %dma_start3A_151] : memref<576x768xf32, #tpu.memory_space<hbm>> -> memref<576x768xf32, #tpu.memory_space<hbm>>
      tpu.enqueue_indirect_dma source(%dma_start3A_152 : memref<576x768xf32, #tpu.memory_space<hbm>>) target(%arg8 : memref<16x768xf32, #tpu.memory_space<vmem>>) offsets(%arg7 : memref<16xi32, #tpu.memory_space<vmem>>) semaphore(%arg10 : memref<!tpu.dma_semaphore, #tpu.memory_space<semaphore_mem>>)
      %dma_wait3A_153 = arith.constant 0 : i32
      %dma_wait3A_154 = arith.constant 0 : i32
      %dma_wait3A_155 = tpu.memref_slice %arg4[%dma_wait3A_153, %dma_wait3A_154] : memref<576x768xf32, #tpu.memory_space<hbm>> -> memref<576x768xf32, #tpu.memory_space<hbm>>
      tpu.wait_indirect_dma semaphore(%arg10 : memref<!tpu.dma_semaphore, #tpu.memory_space<semaphore_mem>>) src(%dma_wait3A_155 : memref<576x768xf32, #tpu.memory_space<hbm>>) dst(%arg8 : memref<16x768xf32, #tpu.memory_space<vmem>>)
      %dma_wait3A_156 = arith.constant 0 : i32
      %dma_wait3A_157 = tpu.memref_slice %arg3[%mul3A_2, %dma_wait3A_156] : memref<256x768xf32, #tpu.memory_space<hbm>> -> memref<16x768xf32, #tpu.memory_space<hbm>>
      %dma_wait3A_158 = arith.constant 0 : i32
      %dma_wait3A_159 = tpu.memref_slice %arg3[%mul3A_2, %dma_wait3A_158] : memref<256x768xf32, #tpu.memory_space<hbm>> -> memref<16x768xf32, #tpu.memory_space<hbm>>
      tpu.wait_dma2 semaphore(%arg11 : memref<!tpu.dma_semaphore, #tpu.memory_space<semaphore_mem>>) src(%dma_wait3A_159 : memref<16x768xf32, #tpu.memory_space<hbm>>) dst(%arg9 : memref<16x768xf32, #tpu.memory_space<vmem>>)
      %scan3A = arith.constant 0 : i32
      %scan3A_160 = arith.constant 0 : i32
      %scan3A_161 = arith.constant 768 : i32
      %scan3A_162 = arith.addi %scan3A_160, %scan3A_161 : i32
      %scan3A_163 = arith.constant 1 : i32
      %scan3A_164 = scf.for %scan3A_166 = %scan3A_160 to %scan3A_162 step %scan3A_163 iter_args(%scan3A_167 = %scan3A) -> (i32)  : i32 {
        %mul3A_168 = arith.constant 1 : i32
        %mul3A_169 = arith.muli %scan3A_166, %mul3A_168 : i32
        %add3A_170 = arith.constant 0 : i32
        %add3A_171 = arith.addi %mul3A_169, %add3A_170 : i32
        %jit3A = arith.constant 48 : i32
        %div3A_172 = arith.divsi %add3A_171, %jit3A : i32
        %sign3A = arith.constant 0 : i32
        %sign3A_173 = arith.cmpi sgt, %add3A_171, %sign3A : i32
        %sign3A_174 = arith.extui %sign3A_173 : i1 to i32
        %sign3A_175 = arith.constant 0 : i32
        %sign3A_176 = arith.cmpi slt, %add3A_171, %sign3A_175 : i32
        %sign3A_177 = arith.extui %sign3A_176 : i1 to i32
        %sign3A_178 = arith.subi %sign3A_174, %sign3A_177 : i32
        %sign3A_179 = arith.constant 0 : i32
        %sign3A_180 = arith.cmpi sgt, %jit3A, %sign3A_179 : i32
        %sign3A_181 = arith.extui %sign3A_180 : i1 to i32
        %sign3A_182 = arith.constant 0 : i32
        %sign3A_183 = arith.cmpi slt, %jit3A, %sign3A_182 : i32
        %sign3A_184 = arith.extui %sign3A_183 : i1 to i32
        %sign3A_185 = arith.subi %sign3A_181, %sign3A_184 : i32
        %ne3A = arith.cmpi ne, %sign3A_178, %sign3A_185 : i32
        %rem3A = arith.remsi %add3A_171, %jit3A : i32
        %ne3A_186 = arith.constant 0 : i32
        %ne3A_187 = arith.cmpi ne, %rem3A, %ne3A_186 : i32
        %and3A = arith.andi %ne3A, %ne3A_187 : i1
        %sub3A_188 = arith.constant 1 : i32
        %sub3A_189 = arith.subi %div3A_172, %sub3A_188 : i32
        %select_n3A_190 = arith.select %and3A, %sub3A_189, %div3A_172 : i32
        %jit3A_191 = arith.constant 48 : i32
        %eq3A = arith.constant 0 : i32
        %eq3A_192 = arith.cmpi eq, %jit3A_191, %eq3A : i32
        %jit3A_193 = arith.constant 1 : i32
        %select_n3A_194 = arith.select %eq3A_192, %jit3A_193, %jit3A_191 : i32
        %rem3A_195 = arith.remsi %add3A_171, %select_n3A_194 : i32
        %ne3A_196 = arith.constant 0 : i32
        %ne3A_197 = arith.cmpi ne, %rem3A_195, %ne3A_196 : i32
        %lt3A_198 = arith.constant 0 : i32
        %lt3A_199 = arith.cmpi slt, %rem3A_195, %lt3A_198 : i32
        %lt3A_200 = arith.constant 0 : i32
        %lt3A_201 = arith.cmpi slt, %select_n3A_194, %lt3A_200 : i32
        %ne3A_202 = arith.xori %lt3A_199, %lt3A_201 : i1
        %and3A_203 = arith.andi %ne3A_202, %ne3A_197 : i1
        %add3A_204 = arith.addi %rem3A_195, %select_n3A_194 : i32
        %select_n3A_205 = arith.select %and3A_203, %add3A_204, %rem3A_195 : i32
        %mul3A_206 = arith.constant 16 : i32
        %mul3A_207 = arith.muli %select_n3A_205, %mul3A_206 : i32
        %get3A_208 = arith.index_cast %select_n3A_190 : i32 to index
        %get3A_209 = arith.index_cast %mul3A_207 : i32 to index
        %get3A_210 = tpu.vector_load %arg8[%get3A_208, %get3A_209] {strides = array<i32>} : memref<16x768xf32, #tpu.memory_space<vmem>>, vector<1x16xf32>,
        %get3A_211 = vector.shape_cast %get3A_210 : vector<1x16xf32> to vector<16xf32>
        %get3A_212 = arith.index_cast %select_n3A_190 : i32 to index
        %get3A_213 = arith.index_cast %mul3A_207 : i32 to index
        %get3A_214 = tpu.vector_load %arg9[%get3A_212, %get3A_213] {strides = array<i32>} : memref<16x768xf32, #tpu.memory_space<vmem>>, vector<1x16xf32>,
        %get3A_215 = vector.shape_cast %get3A_214 : vector<1x16xf32> to vector<16xf32>
        %add3A_216 = arith.addf %get3A_211, %get3A_215 : vector<16xf32>
        %swap3A_217 = arith.index_cast %select_n3A_190 : i32 to index
        %swap3A_218 = arith.index_cast %mul3A_207 : i32 to index
        %swap3A_219 = tpu.vector_load %arg8[%swap3A_217, %swap3A_218] {strides = array<i32>} : memref<16x768xf32, #tpu.memory_space<vmem>>, vector<1x16xf32>,
        %swap3A_220 = vector.shape_cast %swap3A_219 : vector<1x16xf32> to vector<16xf32>
        %swap3A_221 = vector.shape_cast %add3A_216 : vector<16xf32> to vector<1x16xf32>
        tpu.vector_store %arg8[%swap3A_217, %swap3A_218], %swap3A_221 {strides = array<i32>} : memref<16x768xf32, #tpu.memory_space<vmem>>, vector<1x16xf32>,
        %scan3A_222 = arith.constant 0 : i32
        scf.yield %scan3A_222 : i32
      }
      %scan3A_165 = arith.constant 768 : i32
      "tpu.region"() ({
        %run_scoped3A = tpu.sem_alloc : memref<!tpu.dma_semaphore, #tpu.memory_space<semaphore_mem>>
        %dma_start3A_166 = arith.constant 0 : i32
        %dma_start3A_167 = tpu.memref_slice %arg5[%mul3A_2, %dma_start3A_166] : memref<256x768xf32, #tpu.memory_space<hbm>> -> memref<16x768xf32, #tpu.memory_space<hbm>>
        %dma_start3A_168 = arith.constant 0 : i32
        %dma_start3A_169 = tpu.memref_slice %arg5[%mul3A_2, %dma_start3A_168] : memref<256x768xf32, #tpu.memory_space<hbm>> -> memref<16x768xf32, #tpu.memory_space<hbm>>
        tpu.enqueue_dma source(%arg8 : memref<16x768xf32, #tpu.memory_space<vmem>>) target(%dma_start3A_169 : memref<16x768xf32, #tpu.memory_space<hbm>>) target_semaphore(%run_scoped3A : memref<!tpu.dma_semaphore, #tpu.memory_space<semaphore_mem>>)
        %dma_wait3A_170 = arith.constant 0 : i32
        %dma_wait3A_171 = tpu.memref_slice %arg5[%mul3A_2, %dma_wait3A_170] : memref<256x768xf32, #tpu.memory_space<hbm>> -> memref<16x768xf32, #tpu.memory_space<hbm>>
        %dma_wait3A_172 = arith.constant 0 : i32
        %dma_wait3A_173 = tpu.memref_slice %arg5[%mul3A_2, %dma_wait3A_172] : memref<256x768xf32, #tpu.memory_space<hbm>> -> memref<16x768xf32, #tpu.memory_space<hbm>>
        tpu.wait_dma2 semaphore(%run_scoped3A : memref<!tpu.dma_semaphore, #tpu.memory_space<semaphore_mem>>) src(%arg8 : memref<16x768xf32, #tpu.memory_space<vmem>>) dst(%dma_wait3A_173 : memref<16x768xf32, #tpu.memory_space<hbm>>)
        tpu.yield
      }) : () -> ()
    } else {
    }
    return
  }
}

module attributes {stable_mosaic.version = 14 : i64} {
  func.func @_ctx_add_body(%arg0: i32, %arg1: memref<18x256x768xf32, #tpu.memory_space<vmem>>, %arg2: memref<18x1x768xf32, #tpu.memory_space<vmem>>, %arg3: memref<18x256x768xf32, #tpu.memory_space<vmem>>) attributes {dimension_semantics = [#tpu.dimension_semantics<arbitrary>], iteration_bounds = array<i64: 32>, scalar_prefetch = 0 : i64, scratch_operands = 0 : i64, tpu.core_type = #tpu.core_type<tc>, window_params = [{transform_indices = @transform_0, window_bounds = array<i64: 18, 256, 768>}, {transform_indices = @transform_1, window_bounds = array<i64: 18, 1, 768>}, {transform_indices = @transform_2, window_bounds = array<i64: 18, 256, 768>}]} {
    %get3A = arith.constant 0 : index
    %get3A_0 = arith.constant 0 : index
    %get3A_1 = arith.constant 0 : index
    %get3A_2 = vector.load %arg1[%get3A, %get3A_0, %get3A_1] : memref<18x256x768xf32, #tpu.memory_space<vmem>>, vector<18x256x768xf32>
    %get3A_3 = arith.constant 0 : index
    %get3A_4 = arith.constant 0 : index
    %get3A_5 = arith.constant 0 : index
    %get3A_6 = vector.load %arg2[%get3A_3, %get3A_4, %get3A_5] : memref<18x1x768xf32, #tpu.memory_space<vmem>>, vector<18x1x768xf32>
    %add3A = vector.broadcast %get3A_6 : vector<18x1x768xf32> to vector<18x256x768xf32>
    %add3A_7 = arith.addf %get3A_2, %add3A : vector<18x256x768xf32>
    %swap3A = arith.constant 0 : index
    %swap3A_8 = arith.constant 0 : index
    %swap3A_9 = arith.constant 0 : index
    %swap3A_10 = vector.load %arg3[%swap3A, %swap3A_8, %swap3A_9] : memref<18x256x768xf32, #tpu.memory_space<vmem>>, vector<18x256x768xf32>
    tpu.vector_store %arg3[%swap3A, %swap3A_8, %swap3A_9], %add3A_7 {strides = array<i32>} : memref<18x256x768xf32, #tpu.memory_space<vmem>>, vector<18x256x768xf32>,
    return
  }
  func.func @transform_0(%arg0: i32) -> (i32, i32, i32) {
    %c0_i32 = arith.constant 0 : i32
    %c0_i32_0 = arith.constant 0 : i32
    %c0_i32_1 = arith.constant 0 : i32
    return %arg0, %c0_i32, %c0_i32_0 : i32, i32, i32
  }
  func.func @transform_1(%arg0: i32) -> (i32, i32, i32) {
    %c0_i32 = arith.constant 0 : i32
    %c0_i32_0 = arith.constant 0 : i32
    %c0_i32_1 = arith.constant 0 : i32
    return %arg0, %c0_i32, %c0_i32_0 : i32, i32, i32
  }
  func.func @transform_2(%arg0: i32) -> (i32, i32, i32) {
    %c0_i32 = arith.constant 0 : i32
    %c0_i32_0 = arith.constant 0 : i32
    %c0_i32_1 = arith.constant 0 : i32
    return %arg0, %c0_i32, %c0_i32_0 : i32, i32, i32
  }
}

</mosaic_0001>

<sc_bundles>
// kernel: kernel.4.cloned.1.call-start
scs
__scs_entry_jumppad:
0x0: {  	(pc) =	sbr.rel $0x88, $3  }
0x1: {  	(tag) =	ssettag $0x0;
	lr =	simm.s32 $0x1  }
0x2: {  	[smem:$0x3F9D] =	sst lr;
	_ =	strace $0xD0000000  }
0x3: {  	_ = 	snop  }
0x4: {  	_ = 	snop  }
0x5: {  	_ = 	snop  }
0x6: {  	_ = 	snop  }
0x7: {  	_ = 	snop  }
__scs_overlays_trampoline_lowered:
0x8: {  	[smem:$0x3FAC] =	sst s0  }
0x9: {  	[smem:$0x3FAD] =	sst s1  }
0xa: {  	[smem:$0x3FAE] =	sst s2  }
0xb: {  	[smem:$0x3FAF] =	sst s3  }
0xc: {  	[smem:$0x3FB0] =	sst s4  }
0xd: {  	[smem:$0x3FB1] =	sst s5  }
0xe: {  	[smem:$0x3FB2] =	sst s6  }
0xf: {  	[smem:$0x3FB3] =	sst s7  }
0x10: {  	[smem:$0x3FB4] =	sst s8  }
0x11: {  	[smem:$0x3FB5] =	sst s9;
	s0 =	simm.s32 @!p0 $0x0  }
0x12: {  	s1 =	sld [smem:$0x3F9B];
	s0 =	simm.s32 @p0 $0x1  }
0x13: {  	[smem:$0x3FB6] =	sst s0;
	s0 =	simm.s32 @!p1 $0x0  }
0x14: {  	s2 =	sld [smem:$0x3F9A];
	s0 =	simm.s32 @p1 $0x1  }
0x15: {  	[smem:$0x3FB7] =	sst s0;
	s0 =	simm.s32 @!p2 $0x0  }
0x16: {  	s3 =	sld [smem:$0x3FDB];
	s0 =	simm.s32 @p2 $0x1  }
0x17: {  	s4 =	simm.s32 $0x1BF5;
	[smem:$0x3FB9] =	sst s0  }
0x18: {  	s0 =	sld [smem:$0x3F9C];
	_ =	swait.ge [sflag:s4], $0x0  }
0x19: {  	s7 =	sld [smem:$0x3F9D]  }
0x1a: {  	s8 =	sadd.s32 $0xFFFFE003, lr  }
0x1b: {  	s9 =	sadd.s32 $0xFFFFFEF7, lr;
	s5 =	simm.s32 $0xFFFFFFFF;
	p2 =	slt.u32 s8, $0xFFFFF086  }
0x1c: {  	p1 =	slt.u32 s9, $0xF7A;
	s5 =	simm.s32 @!p2 $0x0  }
0x1d: {  	s5 =	simm.s32 @p1 $0x1;
	p0 =	seq.s32 s7, s2  }
0x1e: {  	s7 =	smul.u32 @!p0 $0xF7A, s2;
	p2 =	seq.s32 @!p0 s5, $0x0  }
0x1f: {  	s9 =	smul.u32 $0xF7A, s1;
	s8 =	simm.s32 @!p0 $0x1BF5;
	p2 =	por !p2, p0  }
0x20: {  	[sflag:s8] =	ssyncset.s32 @!p0 $0xFFFFF086;
	s6 =	sadd.s32 @!p0 s3, s7;
	s7 =	simm.s32 @!p0 $0x108  }
0x21: {  	s3 =	sadd.s32 s3, s9;
	s6 =	sadd.s32 @!p0 $0x88, s6;
	s7 =	simm.s32 @p2 $0x1082  }
0x22: {  	[simem:s7], [sflag:s8] =	dma.local @!p0 [hbm:s6], $0xF7A  }
0x23: {  	s9 =	sor.u32 $0xD0000000, s2;
	s6 =	simm.s32 $0x108;
	_ =	swait.ge @!p0 [sflag:s8], $0x0  }
0x24: {  	s3 =	sadd.s32 $0x88, s3;
	s6 =	simm.s32 @!p1 $0x1082;
	[sflag:s4] =	ssyncset.s32 $0xFFFFF086  }
0x25: {  	[simem:s6], [sflag:s4] =	dma.local [hbm:s3], $0xF7A  }
0x26: {  	[smem:$0x3F9D] =	sst s1;
	(tag) =	ssettag s2;
	_ =	strace s9  }
0x27: {  	s1 =	sld [smem:$0x3FAD]  }
0x28: {  	s2 =	sld [smem:$0x3FAE]  }
0x29: {  	s4 =	sld [smem:$0x3FB0]  }
0x2a: {  	p0 =	seq.s32 s5, $0x0;
	s5 =	sld [smem:$0x3FB1]  }
0x2b: {  	s6 =	sld [smem:$0x3FB2]  }
0x2c: {  	s7 =	sld [smem:$0x3FB3]  }
0x2d: {  	s3 =	simm.s32 $0x108;
	s8 =	sld [smem:$0x3FB4]  }
0x2e: {  	s3 =	simm.s32 @!p0 $0x1082;
	s9 =	sld [smem:$0x3FB5]  }
0x2f: {  	lr =	sadd.s32 s0, s3;
	s0 =	sld [smem:$0x3FAC]  }
0x30: {  	s3 =	sld [smem:$0x3FAF]  }
0x31: {  	[smem:$0x3FB8] =	sst s10  }
0x32: {  	s10 =	sld [smem:$0x3FB6];
	_ =	sdelay $0x3  }
0x33: {  	p0 =	seq.s32 s10, $0x1;
	s10 =	sld [smem:$0x3FB8];
	_ =	sdelay $0x3  }
0x34: {  	[smem:$0x3FB8] =	sst s10  }
0x35: {  	s10 =	sld [smem:$0x3FB7];
	_ =	sdelay $0x3  }
0x36: {  	p1 =	seq.s32 s10, $0x1;
	s10 =	sld [smem:$0x3FB8];
	_ =	sdelay $0x3  }
0x37: {  	[smem:$0x3FB8] =	sst s10  }
0x38: {  	s10 =	sld [smem:$0x3FB9]  }
0x39: {  	_ = 	snop;
	(pc) =	sbr.ind lr, $3  }
0x3a: {  	_ = 	snop  }
0x3b: {  	_ = 	snop  }
0x3c: {  	p2 =	seq.s32 s10, $0x1;
	s10 =	sld [smem:$0x3FB8]  }
0x3d: {  	_ =	shalt  }
0x3e: {  	_ =	shalt  }
0x3f: {  	_ =	shalt  }
0x40: {  	_ =	shalt  }
0x41: {  	_ =	shalt  }
0x42: {  	_ =	shalt  }
0x43: {  	_ =	shalt  }
0x44: {  	_ =	shalt  }
0x45: {  	_ =	shalt  }
0x46: {  	_ =	shalt  }
0x47: {  	_ =	shalt  }
0x48: {  	_ =	shalt  }
0x49: {  	_ =	shalt  }
0x4a: {  	_ =	shalt  }
0x4b: {  	_ =	shalt  }
0x4c: {  	_ =	shalt  }
0x4d: {  	_ =	shalt  }
0x4e: {  	_ =	shalt  }
0x4f: {  	_ =	shalt  }
0x50: {  	_ =	shalt  }
0x51: {  	_ =	shalt  }
0x52: {  	_ =	shalt  }
0x53: {  	_ =	shalt  }
0x54: {  	_ =	shalt  }
0x55: {  	_ =	shalt  }
0x56: {  	_ =	shalt  }
0x57: {  	_ =	shalt  }
0x58: {  	_ =	shalt  }
0x59: {  	_ =	shalt  }
0x5a: {  	_ =	shalt  }
0x5b: {  	_ =	shalt  }
0x5c: {  	_ =	shalt  }
0x5d: {  	_ =	shalt  }
0x5e: {  	_ =	shalt  }
0x5f: {  	_ =	shalt  }
0x60: {  	_ =	shalt  }
0x61: {  	_ =	shalt  }
0x62: {  	_ =	shalt  }
0x63: {  	_ =	shalt  }
0x64: {  	_ =	shalt  }
0x65: {  	_ =	shalt  }
0x66: {  	_ =	shalt  }
0x67: {  	_ =	shalt  }
0x68: {  	_ =	shalt  }
0x69: {  	_ =	shalt  }
0x6a: {  	_ =	shalt  }
0x6b: {  	_ =	shalt  }
0x6c: {  	_ =	shalt  }
0x6d: {  	_ =	shalt  }
0x6e: {  	_ =	shalt  }
0x6f: {  	_ =	shalt  }
0x70: {  	_ =	shalt  }
0x71: {  	_ =	shalt  }
0x72: {  	_ =	shalt  }
0x73: {  	_ =	shalt  }
0x74: {  	_ =	shalt  }
0x75: {  	_ =	shalt  }
0x76: {  	_ =	shalt  }
0x77: {  	_ =	shalt  }
0x78: {  	_ =	shalt  }
0x79: {  	_ =	shalt  }
0x7a: {  	_ =	shalt  }
0x7b: {  	_ =	shalt  }
0x7c: {  	_ =	shalt  }
0x7d: {  	_ =	shalt  }
0x7e: {  	_ =	shalt  }
0x7f: {  	_ =	shalt  }
0x80: {  	_ =	shalt  }
0x81: {  	_ =	shalt  }
0x82: {  	_ =	shalt  }
0x83: {  	_ =	shalt  }
0x84: {  	_ =	shalt  }
0x85: {  	_ =	shalt  }
0x86: {  	_ =	shalt  }
0x87: {  	_ =	shalt  }
.Lfunc_end0:
.L_simem_size_0:
called_computation_lowered:
.L_overlay_start_0:
0x88: {  	s0 =	sld [smem:$0x3FD9]  }
0x89: {  	s1 =	sld [smem:$0x3FFE];
	_ =	sdelay $0x3  }
0x8a: {  	s0 =	sadd.s32 s1, s0  }
0x8b: {  	[smem:$0x3FC4] =	sst s0  }
0x8c: {  	_ = 	snop  }
0x8d: {  	s0 =	sld [smem:$0x3FD0];
	_ =	sdelay $0x1  }
0x8e: {  	s13 =	sld [smem:$0x3FC8]  }
0x8f: {  	s3 =	simm.s32 $0xA;
	s4 =	simm.s32 $0x10;
	s2 =	sld [smem:$0x3FC7]  }
0x90: {  	[smem:s4], [sflag:s3] =	dma.local [hbm:s0], $0x1  }
0x91: {  	_ =	swait.eq [sflag:s3], $0x1  }
0x92: {  	[sflag:s3] =	ssyncset.done $0x0  }
0x93: {  	[sflag:s3] =	ssyncadd.s32 $0xFFFFFFFF  }
0x94: {  	s14 =	sld [smem:$0x11];
	(tm) =	ssettm $0x1  }
0x95: {  	s15 =	sld [smem:$0x3FFB];
	_ =	sdelay $0x3  }
0x96: {  	_ =	strace s15  }
0x97: {  	s3 =	sld [smem:$0x3FFC];
	_ =	sdelay $0x3  }
0x98: {  	_ =	strace s3  }
0x99: {  	s3 =	sld [smem:$0x3FFD];
	_ =	sdelay $0x3  }
0x9a: {  	_ =	strace s3  }
0x9b: {  	_ =	strace $0x8FFFFFFF  }
0x9c: {  	s16 =	sld [smem:$0x3FDB];
	_ =	sdelay $0x1  }
0x9d: {  	s17 =	simm.s32 $_scs_section_size  }
0x9e: {  	s5 =	simm.s32 $_size__tile_overlayer_lowered;
	s6 =	simm.s32 $_tile_overlayer_lowered  }
0x9f: {  	s20 =	simm.s32 $0x1BFF;
	s19 =	sshll.u32 s6, $0x1;
	s3 =	sadd.s32 s17, s16  }
0xa0: {  	s7 =	simm.s32 $0x0;
	s18 =	sshll.u32 s5, $0x1;
	s5 =	sadd.s32 s19, s3  }
0xa1: {  	[timem:s7], [sflag:s20] =	dma.local [hbm:s5], s18  }
0xa2: {  	_ =	swait.ge [sflag:s20], s18  }
0xa3: {  	s4 =	ssub.s32 $0x0, s18;
	[sflag:s20] =	ssyncset.done $0x0  }
0xa4: {  	[sflag:s20] =	ssyncadd.s32 s4;
	_ =	sdelay $0x1  }
0xa5: {  	s21 =	simm.s32 $0x1B8B  }
0xa6: {  	_ =	swait.ge [sflag:s21], $0x1  }
0xa7: {  	[sflag:s21] =	ssyncset.done $0x0  }
0xa8: {  	s23 =	simm.s32 $0x1B8E;
	s22 =	sld [smem:$0x3FFE];
	[sflag:s21] =	ssyncadd.s32 $0xFFFFFFFF  }
0xa9: {  	s24 =	simm.s32 $execute0_lowered;
	[smem:$0x3FD2] =	sst s23  }
0xaa: {  	s5 =	sshll.u32 s24, $0x1;
	_ =	strace $0x80000046;
	[dreg:$0x1] =	wrdreg $0xFFFFFFFF  }
0xab: {  	s25 =	simm.s32 $_size_execute0_lowered;
	s3 =	sadd.s32 s3, s5;
	[dreg:$0x0] =	wrdreg $0x0  }
0xac: {  	s5 =	sshll.u32 s25, $0x1;
	[dreg:$0x2] =	wrdreg s3  }
0xad: {  	[dreg:$0x3] =	wrdreg s5  }
0xae: {  	[dreg:$0x4] =	wrdreg $0xC0  }
0xaf: {  	_ =	task [dreg:s7], $0x5FFFF  }
0xb0: {  	[dreg:$0x1] =	wrdreg $0xFFFFFFFF  }
0xb1: {  	[dreg:$0x0] =	wrdreg $0x60  }
0xb2: {  	[dreg:$0x2] =	wrdreg s2  }
0xb3: {  	[dreg:$0x3] =	wrdreg s13  }
0xb4: {  	[dreg:$0x4] =	wrdreg s22  }
0xb5: {  	[dreg:$0x5] =	wrdreg s14  }
0xb6: {  	[dreg:$0x6] =	wrdreg $0x9  }
0xb7: {  	_ =	task.clear_ibuf [dreg:s7], $0x7FFFF;
	_ =	strace $0x90000046  }
0xb8: {  	s26 =	simm.s32 $0x9;
	_ =	strace $0x80000048  }
0xb9: {  	_ =	swait.ge [sflag:s26], $0x1  }
0xba: {  	[sflag:s26] =	ssyncadd.s32 $0xFFFFFFFF  }
0xbb: {  	_ =	strace $0x90000048  }
0xbc: {  	_ =	sfence  }
0xbd: {  	s28 =	sld [smem:$0x0];
	_ =	sdelay $0x1  }
0xbe: {  	s29 =	srdreg.scid  }
0xbf: {  	s30 =	sshll.u32 s29, $0xD;
	s31 =	sshrl.u32 s29, $0x2  }
0xc0: {  	s1 =	sand.u32 $0x1, s29;
	s2 =	sand.u32 $0x4000, s30;
	s0 =	sadd.s32 s31, s28  }
0xc1: {  	s1 =	sor.u32 s2, s1;
	s0 =	sshll.u32 s0, $0x11  }
0xc2: {  	s0 =	sor.u32 s0, s1  }
0xc3: {  	s0 =	sadd.s32 $0x8F2B, s0  }
0xc4: {  	[sflag:s0] =	ssyncadd.remote.s32 $0x1  }
0xc5: {  	_ =	sfence.sel $0xFFFF  }
0xc6: {  	[dreg:$0x0] =	wrdreg $0xFFFFFFFF;
	(pc) =	sbr.abs _section_cstart, $3  }
0xc7: {  	[dreg:$0x1] =	wrdreg $0xFFFFFFFF  }
0xc8: {  	_ =	task.clear_ibuf [dreg:s7], $0x2FFFF;
	_ =	strace $0x9FFFFFFF  }
0xc9: {  	(tm) =	ssettm $0x7FFFFFFF  }
tec
execute0_lowered:
.L_overlay_start_1:
0x0: {  	(tag) =	ssettag $0x1  }
0x1: {  	s6 =	rddreg [dreg:$0x0]  }
0x2: {  	s7 =	rddreg [dreg:$0x1]  }
0x3: {  	s5 =	rddreg [dreg:$0x2]  }
0x4: {  	s2 =	rddreg [dreg:$0x3]  }
0x5: {  	s0 =	rddreg [dreg:$0x4];
	s4 =	simm.s32 $0x0  }
0x6: {  	s1 =	stileid.u32;
	[smem:$0x7FF] =	sst s4  }
0x7: {  	s8 =	sshll.u32 s1, $0x1;
	s3 =	smul.u32 $0x600, s1;
	s9 =	sshll.u32 s1, $0x3  }
0x8: {  	v0 =	vimm.f32 $2.000000000e+00;
	_ =	strace $0x80000047;
	s8 =	sand.u32 $0xE, s8;
	s9 =	sand.u32 $0x40, s9  }
0x9: {  	s29 =	simm.s32 $0x3280;
	s7 =	sadd.s32 s7, s3;
	s8 =	sor.u32 s8, s9;
	(erf) = vrcp.f32 v0  }
0xa: {  	[tilespmem:s29], [sflag:$0x2] =	stream.linear.gather [hbm4b:s7+s4], $0x3000, $0x38;
	[tilespmem:$0x6280] =	vst v63  }
0xb: {  	s6 =	sadd.s32 s6, s8  }
0xc: {  	[tilespmem:s4], [sflag:$0x1] =	stream.linear.gather [hbm4b:s6+s4], $0x10, $0x38;
	[tilespmem:$0x6280] =	vst v63  }
0xd: {  	s31 =	simm.s32 $0x80;
	s30 =	sadd.s32 $0x10, s6  }
0xe: {  	[tilespmem:s31], [sflag:$0x1] =	stream.linear.gather [hbm4b:s30+s4], $0x10, $0x38;
	[tilespmem:$0x6280] =	vst v63  }
0xf: {  	s9 =	simm.s32 $0x100;
	s8 =	sadd.s32 $0x20, s6  }
0x10: {  	[tilespmem:s9], [sflag:$0x1] =	stream.linear.gather [hbm4b:s8+s4], $0x10, $0x38;
	[tilespmem:$0x6280] =	vst v63  }
0x11: {  	s10 =	simm.s32 $0x180;
	s11 =	simm.s32 $0x1;
	s6 =	sadd.s32 $0x30, s6  }
0x12: {  	[tilespmem:s10], [sflag:$0x1] =	stream.linear.gather [hbm4b:s6+s4], $0x10, $0x38;
	v0 =	vpop (erf);
	[tilespmem:$0x6280] =	vst v63  }
0x13: {  	_ =	swait.ge [sflag:s11], $0x10  }
0x14: {  	[sflag:s11] =	ssyncset.done $0x0  }
0x15: {  	[sflag:s11] =	ssyncadd.s32 $0xFFFFFFF0  }
0x16: {  	_ =	swait.ge [sflag:s11], $0x10  }
0x17: {  	[sflag:s11] =	ssyncset.done $0x0  }
0x18: {  	[sflag:s11] =	ssyncadd.s32 $0xFFFFFFF0  }
0x19: {  	_ =	swait.ge [sflag:s11], $0x10  }
0x1a: {  	[sflag:s11] =	ssyncset.done $0x0  }
0x1b: {  	[sflag:s11] =	ssyncadd.s32 $0xFFFFFFF0  }
0x1c: {  	_ =	swait.ge [sflag:s11], $0x10  }
0x1d: {  	[sflag:s11] =	ssyncset.done $0x0  }
0x1e: {  	[sflag:s11] =	ssyncadd.s32 $0xFFFFFFF0  }
0x1f: {  	v1 =	vld [tilespmem:$0x180]  }
0x20: {  	v2 =	vld [tilespmem:$0x100]  }
0x21: {  	v3 =	vld [tilespmem:$0x80]  }
0x22: {  	v4 =	vld [tilespmem:$0x0];
	_ =	sdelay $0x1  }
0x23: {  	v1 =	vmul.f32 v1, v0  }
0x24: {  	v0 =	vmul.f32 v2, v0  }
0x25: {  	v1 =	vadd.f32 v1, v3  }
0x26: {  	v0 =	vadd.f32 v0, v4  }
0x27: {  	v1 =	vmul.f32 $2.400000000e+01, v1  }
0x28: {  	v0 =	vmul.f32 $2.400000000e+01, v0  }
0x29: {  	v2 =	vtrunc.f32 v1  }
0x2a: {  	v3 =	vtrunc.f32 v0;
	vm0 =	vgt.f32 v1, v2  }
0x2b: {  	v1 =	vcvt.f32.s32 v2;
	v2 =	vimm.s32 $0x0;
	vm0 =	vmneg vm0  }
0x2c: {  	vm14 =	vgt.f32 v0, v3;
	v62 =	vsel vm0, $0xFFFFFFFF, v2  }
0x2d: {  	v0 =	vcvt.f32.s32 v3;
	vm0 =	vmneg vm14;
	v1 =	vadd.s32 v1, v62  }
0x2e: {  	v2 =	vsel vm0, $0xFFFFFFFF, v2;
	v1 =	vmul.u32 $0x18, v1  }
0x2f: {  	v0 =	vadd.s32 v0, v2  }
0x30: {  	v1 =	vadd.s32 v0, v1  }
0x31: {  	v2 =	vshrl.u32 v1, $0x3  }
0x32: {  	v2 =	vmul.u32 $0x30, v2  }
0x33: {  	v3 =	vlaneseq.u32;
	v0 =	vand.u32 $0x7, v0  }
0x34: {  	v63 =	vshrl.u32 v3, $0x3;
	v0 =	vor.u32 v0, v2;
	v2 =	vand.u32 $0x7, v3  }
0x35: {  	v4 =	vmul.u32 $0x8, v63;
	v2 =	vperm.xlane v0, v2;
	_ =	sdelay $0x1  }
0x36: {  	v2 =	vadd.s32 v4, v2;
	_ =	sdelay $0x2  }
0x37: {  	v3 =	vor.u32 $0x8, v3  }
0x38: {  	vm15 =	vmmov $0xffff;
	s13 =	simm.s32 $0x280;
	s12 =	sadd.s32 $0x400, s5;
	[tilespmem:$0x200] =	vst v1;
	v0 =	vperm.xlane v0, v3  }
0x39: {  	[tilespmem:s13], [sflag:$0x1] =	stream.indirect_vreg.gather [hbm4b:s12+s4], $0x80, v2, vm15, $0xb8;
	[tilespmem:$0x6280] =	vst v63  }
0x3a: {  	s15 =	simm.s32 $0xA80;
	s14 =	sadd.s32 $0x500, s5;
	v0 =	vadd.s32 v4, v0  }
0x3b: {  	[tilespmem:s15], [sflag:$0x1] =	stream.indirect_vreg.gather [hbm4b:s14+s4], $0x80, v2, vm15, $0xb8;
	[tilespmem:$0x6280] =	vst v63  }
0x3c: {  	s16 =	simm.s32 $0x1280;
	s5 =	sadd.s32 $0x600, s5  }
0x3d: {  	[tilespmem:s16], [sflag:$0x1] =	stream.indirect_vreg.gather [hbm4b:s5+s4], $0x80, v2, vm15, $0xb8;
	[tilespmem:$0x6280] =	vst v63  }
0x3e: {  	s17 =	simm.s32 $0x1A80  }
0x3f: {  	[tilespmem:s17], [sflag:$0x1] =	stream.indirect_vreg.gather [hbm4b:s12+s4], $0x80, v0, vm15, $0xb8;
	[tilespmem:$0x6280] =	vst v63  }
0x40: {  	s18 =	simm.s32 $0x2280;
	s20 =	smul.u32 $0xAAAB, s4  }
0x41: {  	[tilespmem:s18], [sflag:$0x1] =	stream.indirect_vreg.gather [hbm4b:s14+s4], $0x80, v0, vm15, $0xb8;
	[tilespmem:$0x6280] =	vst v63  }
0x42: {  	s19 =	simm.s32 $0x2A80;
	s21 =	sshrl.u32 s20, $0x15  }
0x43: {  	[tilespmem:s19], [sflag:$0x1] =	stream.indirect_vreg.gather [hbm4b:s5+s4], $0x80, v0, vm15, $0xb8;
	[tilespmem:$0x6280] =	vst v63  }
0x44: {  	s24 =	simm.s32 $0x1;
	s4 =	smul.u32 $0x30, s21  }
0x45: {  	s22 =	simm.s32 $0x2;
	s23 =	sshrl.u32 s20, $0x18;
	s7 =	smul.u32 $0xAAAB, s24  }
0x46: {  	s8 =	sshrl.u32 s20, $0xE;
	_ =	swait.ge [sflag:s11], $0x3000;
	s4 =	ssub.s32 $0x0, s4  }
0x47: {  	s6 =	smul.u32 $0x1800, s23;
	[sflag:s11] =	ssyncset.done $0x0;
	s25 =	sshll.u32 s4, $0x7  }
0x48: {  	s8 =	sand.u32 $0x380, s8;
	[sflag:s11] =	ssyncadd.s32 $0xFFFFD000;
	s9 =	sand.u32 $0x1C00, s25  }
0x49: {  	s4 =	sshll.u32 s4, $0x4;
	_ =	swait.ge [sflag:s22], $0x3000;
	s6 =	sadd.s32 s9, s6  }
0x4a: {  	s4 =	sand.u32 $0x70, s4;
	[sflag:s22] =	ssyncset.done $0x0;
	s6 =	sor.u32 s8, s6  }
0x4b: {  	s26 =	sshrl.u32 s7, $0x15;
	[sflag:s22] =	ssyncadd.s32 $0xFFFFD000;
	s4 =	sor.u32 s4, s6  }
0x4c: {  	s5 =	smul.u32 $0x30, s26;
	v0 =	vld [tilespmem:s4+$0x3280]  }
0x4d: {  	v1 =	vld [tilespmem:s4+$0x280]  }
0x4e: {  	s29 =	sshrl.u32 s7, $0x18;
	s28 =	ssub.s32 $0x1, s5  }
0x4f: {  	s7 =	sshrl.u32 s7, $0xE;
	s30 =	smul.u32 $0x1800, s29;
	s10 =	sshll.u32 s28, $0x7  }
0x50: {  	s31 =	sand.u32 $0x380, s7;
	s10 =	sand.u32 $0x1C00, s10;
	s6 =	simm.s32 $0x2  }
0x51: {  	s9 =	sadd.s32 s10, s30;
	s8 =	sshll.u32 s28, $0x4;
	s5 =	smul.u32 $0xAAAB, s6  }
0x52: {  	s7 =	simm.s32 $0x3;
	s9 =	sor.u32 s31, s9;
	s8 =	sand.u32 $0x70, s8;
	v0 =	vadd.f32 v0, v1  }
.LBB2_1:
0x53: {  	p0 =	sne.s32 s7, $0x2FF;
	s10 =	sshrl.u32 s5, $0x15;
	s8 =	sor.u32 s8, s9  }
0x54: {  	s9 =	smul.u32 $0x30, s10;
	v1 =	vld [tilespmem:s8+$0x3280];
	[tilespmem:s4+$0x280] =	vst v0;
	s4 =	smov.u32 s8  }
0x55: {  	v0 =	vld [tilespmem:s4+$0x280]  }
.Ltmp0:
0x56: {  	s8 =	ssub.s32 s6, s9;
	s6 =	sshrl.u32 s5, $0x18;
	(pc) =	sbr.rel @p0 .LBB2_1-.Ltmp0, $4  }
0x57: {  	s9 =	smul.u32 $0x1800, s6;
	s10 =	sshll.u32 s8, $0x7;
	s6 =	smov.u32 s7  }
0x58: {  	s11 =	sshrl.u32 s5, $0xE;
	s5 =	smul.u32 $0xAAAB, s7;
	s10 =	sand.u32 $0x1C00, s10  }
0x59: {  	s8 =	sshll.u32 s8, $0x4;
	s9 =	sadd.s32 s10, s9;
	s10 =	sand.u32 $0x380, s11  }
0x5a: {  	s7 =	sadd.s32 $0x1, s7;
	s8 =	sand.u32 $0x70, s8;
	s9 =	sor.u32 s10, s9;
	v0 =	vadd.f32 v1, v0  }
0x5b: {  	s7 =	sshrl.u32 s5, $0x15;
	s8 =	sor.u32 s8, s9  }
0x5c: {  	s7 =	smul.u32 $0x30, s7;
	v1 =	vld [tilespmem:s8+$0x3280];
	[tilespmem:s4+$0x280] =	vst v0  }
0x5d: {  	v0 =	vld [tilespmem:s8+$0x280]  }
0x5e: {  	s26 =	sshrl.u32 s5, $0x18;
	s25 =	ssub.s32 s6, s7  }
0x5f: {  	s6 =	smul.u32 $0x1800, s26;
	s7 =	sshll.u32 s25, $0x7  }
0x60: {  	s28 =	sshrl.u32 s5, $0xE;
	s7 =	sand.u32 $0x1C00, s7  }
0x61: {  	s5 =	sand.u32 $0x380, s28;
	s4 =	sshll.u32 s25, $0x4;
	s6 =	sadd.s32 s7, s6  }
0x62: {  	s4 =	sand.u32 $0x70, s4;
	s5 =	sor.u32 s5, s6;
	v0 =	vadd.f32 v1, v0  }
0x63: {  	s4 =	sor.u32 s4, s5  }
0x64: {  	v63 =	vld [tilespmem:s4+$0x3280];
	[tilespmem:s8+$0x280] =	vst v0  }
0x65: {  	v0 =	vld [tilespmem:s4+$0x280];
	_ =	sdelay $0x4  }
0x66: {  	v0 =	vadd.f32 v63, v0  }
0x67: {  	s2 =	sadd.s32 s2, s3  }
0x68: {  	s29 =	simm.s32 $0x0;
	s30 =	simm.s32 $0x280;
	s31 =	simm.s32 $0x3;
	[tilespmem:s4+$0x280] =	vst v0  }
0x69: {  	[hbm4b:s2+s29] =	stream.linear.scatter [tilespmem:s30], [sflag:$0x3], $0x3000, $0x38;
	[tilespmem:$0x6280] =	vst v63  }
0x6a: {  	_ =	swait.ge [sflag:s31], $0x3000  }
0x6b: {  	[sflag:s31] =	ssyncset.done $0x0  }
0x6c: {  	[sflag:s31] =	ssyncadd.s32 $0xFFFFD000  }
0x6d: {  	_ =	sfence.sel $0x180000  }
0x6e: {  	[bflag:$0x0] =	sbarrier.arrive $0xFFFF  }
0x6f: {  	p0 =	sne.s32 s1, $0x0;
	_ =	strace $0x90000047  }
0x70: {  	s0 =	sadd.s32 @!p0 $0x100000, s0;
	[bflag:$0x2] =	sbarrier.arrive $0xFFFF  }
0x71: {  	[sflag:s0] =	ssyncadd.tile.s32 @!p0 $0x1;
	_ =	shalt  }
.Lfunc_end2:
_tile_overlayer_lowered:
.L_overlay_start_2:
0x72: {  	(tag) =	ssettag $0x2  }
0x73: {  	s0 =	rddreg [dreg:$0x0];
	s2 =	stileid.u32  }
0x74: {  	s1 =	rddreg [dreg:$0x1];
	p0 =	sne.s32 s2, $0x0  }
0x75: {  	s3 =	rddreg [dreg:$0x2];
	[bflag:$0x3] =	sbarrier.arrive $0xFFFF;
	s2 =	simm.s32 @!p0 $0x1C03  }
0x76: {  	[timem:s3], [sflag:s2] =	dma.local @!p0 [hbm:s0], s1  }
0x77: {  	s0 =	simm.s32 @!p0 $0x3  }
0x78: {  	_ =	swait.ge @!p0 [sflag:s0], s1  }
0x79: {  	s1 =	ssub.s32 @!p0 $0x0, s1;
	[sflag:s0] =	ssyncset.done @!p0 $0x0  }
0x7a: {  	[sflag:s0] =	ssyncadd.s32 @!p0 s1  }
0x7b: {  	[bflag:$0x3] =	sbarrier.arrive $0xFFFF  }
0x7c: {  	_ =	shalt  }

</sc_bundles>
